<compile_context>
chip_gen: v7x
topology: tpu7x:2x2x1
jax: 0.10.2.dev20260603
libtpu: 0.0.44.dev20260713+nightly
codegen_flags: <defaults>
</compile_context>

<pallas_src>
import functools

import jax
import jax.numpy as jnp
from jax import lax
from jax.experimental import pallas as pl
from jax.experimental.pallas import tpu as pltpu
from jax.experimental.pallas import tpu_sc as plsc

_MAX_ITERS = 10
_TOL = 1e-3
_RB = 512

_NC = 2
_NS = 16
_LANES = 16


def _nn_block_kernel(src_ref, dst_ref, idx_ref, val_ref):
    s = src_ref[0]
    d = dst_ref[0]
    n = d.shape[1]
    rb = s.shape[1]
    xx = jnp.sum(s * s, axis=0)
    yy = jnp.sum(d * d, axis=0)
    inner = -2.0 * lax.dot_general(
        s, d, (((0,), (0,)), ((), ())), preferred_element_type=jnp.float32
    )
    pd = -xx[:, None] - inner - yy[None, :]
    m = jnp.max(pd, axis=1)
    idx = jnp.argmax(pd, axis=1).astype(jnp.int32)
    idx_ref[0, 0] = idx
    val_ref[0, 0] = m


def _nn_tc(src, dst, interpret=False):
    B, _, N = src.shape
    G = N // _RB
    idx, val = pl.pallas_call(
        _nn_block_kernel,
        grid=(B, G),
        in_specs=[
            pl.BlockSpec((1, 3, _RB), lambda b, g: (b, 0, g)),
            pl.BlockSpec((1, 3, N), lambda b, g: (b, 0, 0)),
        ],
        out_specs=[
            pl.BlockSpec((1, 1, _RB), lambda b, g: (b, 0, g)),
            pl.BlockSpec((1, 1, _RB), lambda b, g: (b, 0, g)),
        ],
        out_shape=[
            jax.ShapeDtypeStruct((B, 1, N), jnp.int32),
            jax.ShapeDtypeStruct((B, 1, N), jnp.float32),
        ],
        interpret=interpret,
    )(src, dst)
    return idx[:, 0, :], val[:, 0, :]


def _sc_gather(dst_flat, idx_flat, B, N):
    nw = _NC * _NS
    ppw = (B * N) // nw
    wpb = N // ppw
    mesh = plsc.VectorSubcoreMesh(core_axis_name="c", subcore_axis_name="s")

    @functools.partial(
        pl.kernel,
        mesh=mesh,
        compiler_params=pltpu.CompilerParams(needs_layout_passes=False),
        out_type=jax.ShapeDtypeStruct((B * 3 * N,), jnp.float32),
        scratch_types=[
            pltpu.VMEM((3 * N,), jnp.float32),
            pltpu.VMEM((ppw,), jnp.int32),
            pltpu.VMEM((3 * ppw,), jnp.float32),
        ],
    )
    def gk(dst_hbm, idx_hbm, out_hbm, d_v, i_v, o_v):
        wid = lax.axis_index("s") * _NC + lax.axis_index("c")
        b = wid // wpb
        jb = (wid % wpb) * ppw
        pltpu.sync_copy(dst_hbm.at[pl.ds(b * 3 * N, 3 * N)], d_v)
        pltpu.sync_copy(idx_hbm.at[pl.ds(b * N + jb, ppw)], i_v)

        def body(k, carry):
            iv = i_v[pl.ds(k * _LANES, _LANES)]
            for c in range(3):
                v = plsc.load_gather(d_v, [iv + c * N])
                o_v[pl.ds(c * ppw + k * _LANES, _LANES)] = v
            return carry

        lax.fori_loop(0, ppw // _LANES, body, 0)
        for c in range(3):
            pltpu.sync_copy(
                o_v.at[pl.ds(c * ppw, ppw)],
                out_hbm.at[pl.ds(b * 3 * N + c * N + jb, ppw)],
            )

    return gk(dst_flat, idx_flat)


def _fit(src, src_corr, reflect):
    B = src.shape[0]
    src_mean = jnp.mean(src, axis=2, keepdims=True)
    corr_mean = jnp.mean(src_corr, axis=2, keepdims=True)
    src_centered = src - src_mean
    corr_centered = src_corr - corr_mean
    H = jnp.matmul(src_centered, jnp.transpose(corr_centered, (0, 2, 1)))
    u, s, vh = jnp.linalg.svd(H, full_matrices=False)
    v = jnp.transpose(vh, (0, 2, 1))
    r = jnp.matmul(v, jnp.transpose(u, (0, 2, 1)))
    det = jnp.linalg.det(r)
    v = jnp.where(det[:, None, None] < 0, jnp.matmul(v, reflect), v)
    r = jnp.matmul(v, jnp.transpose(u, (0, 2, 1)))
    t = jnp.matmul(-r, src_mean) + corr_mean
    return r, t.reshape(B, 3)


def _nn(src, dst, dst_flat):
    B, _, N = src.shape
    idx, val = _nn_tc(src, dst)
    corr_flat = _sc_gather(dst_flat, idx.reshape(-1), B, N)
    corr = corr_flat.reshape(B, 3, N)
    return jnp.mean(val), corr


def _icp(srcInit, dst, nn_fn):
    reflect = jnp.eye(3, dtype=srcInit.dtype).at[2, 2].set(-1.0)

    def cond(carry):
        i, _, _, done = carry
        return (i < _MAX_ITERS) & jnp.logical_not(done)

    def body(carry):
        i, src, prev_error, done = carry
        mean_error, corr = nn_fn(src, dst)
        r, t = _fit(src, corr, reflect)
        src = jnp.matmul(r, src) + t[:, :, None]
        done = done | (jnp.abs(prev_error - mean_error) < _TOL)
        return (i + 1, src, mean_error, done)

    init = (
        jnp.asarray(0, jnp.int32),
        srcInit,
        jnp.asarray(0.0, srcInit.dtype),
        jnp.asarray(False),
    )
    _, src, _, _ = lax.while_loop(cond, body, init)
    rotation_ab, translation_ab = _fit(srcInit, src, reflect)
    rotation_ba = jnp.transpose(rotation_ab, (0, 2, 1))
    translation_ba = -jnp.matmul(rotation_ba, translation_ab[:, :, None])[..., 0]
    return (srcInit, src, rotation_ab, translation_ab, rotation_ba, translation_ba)


def kernel(srcInit, dst):
    dst_flat = dst.reshape(-1)
    nn_fn = functools.partial(_nn, dst_flat=dst_flat)
    return _icp(srcInit, dst, nn_fn)

# --- scband reference (transcript-rebuilt; emitter-appended) ---
"""Pipeline reference for scband-icp-54125177864548 (READ-ONLY COPY).

The authoritative reference and input builder live on the scoring server;
editing this copy changes nothing except your own understanding.
"""

import jax, jax.numpy as jnp
import numpy as np

MAX_ITERATIONS = 10
TOLERANCE = 1e-3


def _nearest_neighbor(src, dst):
    # src, dst: [B, 3, N]
    inner = -2.0 * jnp.matmul(jnp.transpose(src, (0, 2, 1)), dst)  # [B, N, N]
    xx = jnp.transpose(jnp.sum(src ** 2, axis=1, keepdims=True), (0, 2, 1))  # [B, N, 1]
    yy = jnp.sum(dst ** 2, axis=1, keepdims=True)  # [B, 1, N]
    pairwise_distance = -xx - inner - yy  # negative squared distance
    val, idx = jax.lax.top_k(pairwise_distance, 1)  # [B, N, 1]
    idx = idx[..., 0]  # [B, N]
    dst_t = jnp.transpose(dst, (0, 2, 1))  # [B, N, 3]
    candidates = jnp.take_along_axis(dst_t, idx[..., None], axis=1)  # [B, N, 3]
    return jnp.mean(val), jnp.transpose(candidates, (0, 2, 1))


def _best_fit_transform(src, src_corr, reflect):
    B = src.shape[0]
    src_mean = jnp.mean(src, axis=2, keepdims=True)
    corr_mean = jnp.mean(src_corr, axis=2, keepdims=True)
    src_centered = src - src_mean
    corr_centered = src_corr - corr_mean
    H = jnp.matmul(src_centered, jnp.transpose(corr_centered, (0, 2, 1)))  # [B, 3, 3]
    u, s, vh = jnp.linalg.svd(H, full_matrices=False)
    v = jnp.transpose(vh, (0, 2, 1))
    r = jnp.matmul(v, jnp.transpose(u, (0, 2, 1)))
    det = jnp.linalg.det(r)
    v = jnp.where(det[:, None, None] < 0, jnp.matmul(v, reflect), v)
    r = jnp.matmul(v, jnp.transpose(u, (0, 2, 1)))
    t = jnp.matmul(-r, src_mean) + corr_mean  # [B, 3, 1]
    return r, t.reshape(B, 3)


def _transform_point_cloud(pc, rotation, translation):
    return jnp.matmul(rotation, pc) + translation[:, :, None]


def setup_inputs(seed: int = 0) -> dict:
    key = jax.random.key(seed)
    k1, k2 = jax.random.split(key)
    srcInit = jax.random.normal(k1, (4, 3, 4096), dtype=jnp.float32)
    dst = jax.random.normal(k2, (4, 3, 4096), dtype=jnp.float32)
    return {"srcInit": srcInit, "dst": dst}


def reference(srcInit, dst):
    reflect = jnp.eye(3, dtype=srcInit.dtype).at[2, 2].set(-1.0)

    def body(i, carry):
        src, prev_error, done = carry
        mean_error, src_corr = _nearest_neighbor(src, dst)
        rotation_ab, translation_ab = _best_fit_transform(src, src_corr, reflect)
        new_src = _transform_point_cloud(src, rotation_ab, translation_ab)
        src = jnp.where(done, src, new_src)
        new_done = done | (jnp.abs(prev_error - mean_error) < TOLERANCE)
        prev_error = jnp.where(done, prev_error, mean_error)
        return (src, prev_error, new_done)

    init = (srcInit, jnp.asarray(0.0, dtype=srcInit.dtype), jnp.asarray(False))
    src, _, _ = jax.lax.fori_loop(0, MAX_ITERATIONS, body, init)
    rotation_ab, translation_ab = _best_fit_transform(srcInit, src, reflect)
    rotation_ba = jnp.transpose(rotation_ab, (0, 2, 1))
    translation_ba = -jnp.matmul(rotation_ba, translation_ab[:, :, None])[..., 0]
    return (srcInit, src, rotation_ab, translation_ab, rotation_ba, translation_ba)

if __name__ == "__main__":
    import jax
    _d = setup_inputs()
    print(jax.jit(kernel)(*tuple(_d.values())))

</pallas_src>

<mosaic_0001>
#map = affine_map<(d0, d1) -> (0)>
module attributes {stable_mosaic.version = 14 : i64} {
  func.func @gk(%arg0: i32, %arg1: i32, %arg2: memref<49152xf32, #tpu.memory_space<hbm>>, %arg3: memref<16384xi32, #tpu.memory_space<hbm>>, %arg4: memref<49152xf32, #tpu.memory_space<hbm>>, %arg5: memref<12288xf32, #tpu.memory_space<vmem>>, %arg6: memref<512xi32, #tpu.memory_space<vmem>>, %arg7: memref<1536xf32, #tpu.memory_space<vmem>>) attributes {dimension_semantics = [#tpu.dimension_semantics<core_parallel>, #tpu.dimension_semantics<subcore_parallel>], iteration_bounds = array<i64: 2, 16>, scalar_prefetch = 0 : i64, scratch_operands = 3 : i64, tpu.core_type = #tpu.core_type<sc_vector_subcore>, window_params = [{transform_indices = #map}, {transform_indices = #map}, {transform_indices = #map}]} {
    %mul3A = arith.constant 2 : i32
    %mul3A_0 = arith.muli %arg1, %mul3A : i32
    %add3A = arith.addi %mul3A_0, %arg0 : i32
    %jit3A = arith.constant 8 : i32
    %div3A = arith.divsi %add3A, %jit3A : i32
    %sign3A = arith.constant 0 : i32
    %sign3A_1 = arith.cmpi sgt, %add3A, %sign3A : i32
    %sign3A_2 = arith.extui %sign3A_1 : i1 to i32
    %sign3A_3 = arith.constant 0 : i32
    %sign3A_4 = arith.cmpi slt, %add3A, %sign3A_3 : i32
    %sign3A_5 = arith.extui %sign3A_4 : i1 to i32
    %sign3A_6 = arith.subi %sign3A_2, %sign3A_5 : i32
    %sign3A_7 = arith.constant 0 : i32
    %sign3A_8 = arith.cmpi sgt, %jit3A, %sign3A_7 : i32
    %sign3A_9 = arith.extui %sign3A_8 : i1 to i32
    %sign3A_10 = arith.constant 0 : i32
    %sign3A_11 = arith.cmpi slt, %jit3A, %sign3A_10 : i32
    %sign3A_12 = arith.extui %sign3A_11 : i1 to i32
    %sign3A_13 = arith.subi %sign3A_9, %sign3A_12 : i32
    %ne3A = arith.cmpi ne, %sign3A_6, %sign3A_13 : i32
    %rem3A = arith.remsi %add3A, %jit3A : i32
    %ne3A_14 = arith.constant 0 : i32
    %ne3A_15 = arith.cmpi ne, %rem3A, %ne3A_14 : i32
    %and3A = arith.andi %ne3A, %ne3A_15 : i1
    %sub3A = arith.constant 1 : i32
    %sub3A_16 = arith.subi %div3A, %sub3A : i32
    %select_n3A = arith.select %and3A, %sub3A_16, %div3A : i32
    %jit3A_17 = arith.constant 8 : i32
    %eq3A = arith.constant 0 : i32
    %eq3A_18 = arith.cmpi eq, %jit3A_17, %eq3A : i32
    %jit3A_19 = arith.constant 1 : i32
    %select_n3A_20 = arith.select %eq3A_18, %jit3A_19, %jit3A_17 : i32
    %rem3A_21 = arith.remsi %add3A, %select_n3A_20 : i32
    %ne3A_22 = arith.constant 0 : i32
    %ne3A_23 = arith.cmpi ne, %rem3A_21, %ne3A_22 : i32
    %lt3A = arith.constant 0 : i32
    %lt3A_24 = arith.cmpi slt, %rem3A_21, %lt3A : i32
    %lt3A_25 = arith.constant 0 : i32
    %lt3A_26 = arith.cmpi slt, %select_n3A_20, %lt3A_25 : i32
    %ne3A_27 = arith.xori %lt3A_24, %lt3A_26 : i1
    %and3A_28 = arith.andi %ne3A_27, %ne3A_23 : i1
    %add3A_29 = arith.addi %rem3A_21, %select_n3A_20 : i32
    %select_n3A_30 = arith.select %and3A_28, %add3A_29, %rem3A_21 : i32
    %mul3A_31 = arith.constant 512 : i32
    %mul3A_32 = arith.muli %select_n3A_30, %mul3A_31 : i32
    %mul3A_33 = arith.constant 3 : i32
    %mul3A_34 = arith.muli %select_n3A, %mul3A_33 : i32
    %mul3A_35 = arith.constant 4096 : i32
    %mul3A_36 = arith.muli %mul3A_34, %mul3A_35 : i32
    "tpu.region"() ({
      %run_scoped3A = tpu.sem_alloc : memref<!tpu.dma_semaphore, #tpu.memory_space<semaphore_mem>>
      %dma_start3A = tpu.memref_slice %arg2[%mul3A_36] : memref<49152xf32, #tpu.memory_space<hbm>> -> memref<12288xf32, #tpu.memory_space<hbm>>
      %dma_start3A_66 = tpu.memref_slice %arg2[%mul3A_36] : memref<49152xf32, #tpu.memory_space<hbm>> -> memref<12288xf32, #tpu.memory_space<hbm>>
      tpu.enqueue_dma source(%dma_start3A_66 : memref<12288xf32, #tpu.memory_space<hbm>>) target(%arg5 : memref<12288xf32, #tpu.memory_space<vmem>>) target_semaphore(%run_scoped3A : memref<!tpu.dma_semaphore, #tpu.memory_space<semaphore_mem>>)
      %dma_wait3A = tpu.memref_slice %arg2[%mul3A_36] : memref<49152xf32, #tpu.memory_space<hbm>> -> memref<12288xf32, #tpu.memory_space<hbm>>
      %dma_wait3A_67 = tpu.memref_slice %arg2[%mul3A_36] : memref<49152xf32, #tpu.memory_space<hbm>> -> memref<12288xf32, #tpu.memory_space<hbm>>
      tpu.wait_dma2 semaphore(%run_scoped3A : memref<!tpu.dma_semaphore, #tpu.memory_space<semaphore_mem>>) src(%dma_wait3A_67 : memref<12288xf32, #tpu.memory_space<hbm>>) dst(%arg5 : memref<12288xf32, #tpu.memory_space<vmem>>)
      tpu.yield
    }) : () -> ()
    %mul3A_37 = arith.constant 4096 : i32
    %mul3A_38 = arith.muli %select_n3A, %mul3A_37 : i32
    %add3A_39 = arith.addi %mul3A_38, %mul3A_32 : i32
    "tpu.region"() ({
      %run_scoped3A = tpu.sem_alloc : memref<!tpu.dma_semaphore, #tpu.memory_space<semaphore_mem>>
      %dma_start3A = tpu.memref_slice %arg3[%add3A_39] : memref<16384xi32, #tpu.memory_space<hbm>> -> memref<512xi32, #tpu.memory_space<hbm>>
      %dma_start3A_66 = tpu.memref_slice %arg3[%add3A_39] : memref<16384xi32, #tpu.memory_space<hbm>> -> memref<512xi32, #tpu.memory_space<hbm>>
      tpu.enqueue_dma source(%dma_start3A_66 : memref<512xi32, #tpu.memory_space<hbm>>) target(%arg6 : memref<512xi32, #tpu.memory_space<vmem>>) target_semaphore(%run_scoped3A : memref<!tpu.dma_semaphore, #tpu.memory_space<semaphore_mem>>)
      %dma_wait3A = tpu.memref_slice %arg3[%add3A_39] : memref<16384xi32, #tpu.memory_space<hbm>> -> memref<512xi32, #tpu.memory_space<hbm>>
      %dma_wait3A_67 = tpu.memref_slice %arg3[%add3A_39] : memref<16384xi32, #tpu.memory_space<hbm>> -> memref<512xi32, #tpu.memory_space<hbm>>
      tpu.wait_dma2 semaphore(%run_scoped3A : memref<!tpu.dma_semaphore, #tpu.memory_space<semaphore_mem>>) src(%dma_wait3A_67 : memref<512xi32, #tpu.memory_space<hbm>>) dst(%arg6 : memref<512xi32, #tpu.memory_space<vmem>>)
      tpu.yield
    }) : () -> ()
    %scan3A = arith.constant 0 : i32
    %scan3A_40 = arith.constant 0 : i32
    %scan3A_41 = arith.constant 32 : i32
    %scan3A_42 = arith.addi %scan3A_40, %scan3A_41 : i32
    %scan3A_43 = arith.constant 1 : i32
    scf.for %scan3A_66 = %scan3A_40 to %scan3A_42 step %scan3A_43  : i32 {
      %mul3A_67 = arith.constant 16 : i32
      %mul3A_68 = arith.muli %scan3A_66, %mul3A_67 : i32
      %get3A = arith.index_cast %mul3A_68 : i32 to index
      %get3A_69 = tpu.vector_load %arg6[%get3A] {strides = array<i32>} : memref<512xi32, #tpu.memory_space<vmem>>, vector<16xi32>,
      %add3A_70 = arith.constant 0 : i32
      %add3A_71 = vector.broadcast %add3A_70 : i32 to vector<16xi32>
      %add3A_72 = arith.addi %get3A_69, %add3A_71 : vector<16xi32>
      %gather3A = tpu.vector_load_idx %arg5[%add3A_72] : memref<12288xf32, #tpu.memory_space<vmem>>[vector<16xi32>], vector<16xf32>,
      %mul3A_73 = arith.constant 16 : i32
      %mul3A_74 = arith.muli %scan3A_66, %mul3A_73 : i32
      %add3A_75 = arith.constant 0 : i32
      %add3A_76 = arith.addi %add3A_75, %mul3A_74 : i32
      %swap3A = arith.index_cast %add3A_76 : i32 to index
      %swap3A_77 = tpu.vector_load %arg7[%swap3A] {strides = array<i32>} : memref<1536xf32, #tpu.memory_space<vmem>>, vector<16xf32>,
      tpu.vector_store %arg7[%swap3A], %gather3A {strides = array<i32>} : memref<1536xf32, #tpu.memory_space<vmem>>, vector<16xf32>,
      %add3A_78 = arith.constant 4096 : i32
      %add3A_79 = vector.broadcast %add3A_78 : i32 to vector<16xi32>
      %add3A_80 = arith.addi %get3A_69, %add3A_79 : vector<16xi32>
      %gather3A_81 = tpu.vector_load_idx %arg5[%add3A_80] : memref<12288xf32, #tpu.memory_space<vmem>>[vector<16xi32>], vector<16xf32>,
      %mul3A_82 = arith.constant 16 : i32
      %mul3A_83 = arith.muli %scan3A_66, %mul3A_82 : i32
      %add3A_84 = arith.constant 512 : i32
      %add3A_85 = arith.addi %add3A_84, %mul3A_83 : i32
      %swap3A_86 = arith.index_cast %add3A_85 : i32 to index
      %swap3A_87 = tpu.vector_load %arg7[%swap3A_86] {strides = array<i32>} : memref<1536xf32, #tpu.memory_space<vmem>>, vector<16xf32>,
      tpu.vector_store %arg7[%swap3A_86], %gather3A_81 {strides = array<i32>} : memref<1536xf32, #tpu.memory_space<vmem>>, vector<16xf32>,
      %add3A_88 = arith.constant 8192 : i32
      %add3A_89 = vector.broadcast %add3A_88 : i32 to vector<16xi32>
      %add3A_90 = arith.addi %get3A_69, %add3A_89 : vector<16xi32>
      %gather3A_91 = tpu.vector_load_idx %arg5[%add3A_90] : memref<12288xf32, #tpu.memory_space<vmem>>[vector<16xi32>], vector<16xf32>,
      %mul3A_92 = arith.constant 16 : i32
      %mul3A_93 = arith.muli %scan3A_66, %mul3A_92 : i32
      %add3A_94 = arith.constant 1024 : i32
      %add3A_95 = arith.addi %add3A_94, %mul3A_93 : i32
      %swap3A_96 = arith.index_cast %add3A_95 : i32 to index
      %swap3A_97 = tpu.vector_load %arg7[%swap3A_96] {strides = array<i32>} : memref<1536xf32, #tpu.memory_space<vmem>>, vector<16xf32>,
      tpu.vector_store %arg7[%swap3A_96], %gather3A_91 {strides = array<i32>} : memref<1536xf32, #tpu.memory_space<vmem>>, vector<16xf32>,
    }
    %scan3A_44 = arith.constant 32 : i32
    %mul3A_45 = arith.constant 3 : i32
    %mul3A_46 = arith.muli %select_n3A, %mul3A_45 : i32
    %mul3A_47 = arith.constant 4096 : i32
    %mul3A_48 = arith.muli %mul3A_46, %mul3A_47 : i32
    %add3A_49 = arith.constant 0 : i32
    %add3A_50 = arith.addi %mul3A_48, %add3A_49 : i32
    %add3A_51 = arith.addi %add3A_50, %mul3A_32 : i32
    "tpu.region"() ({
      %run_scoped3A = tpu.sem_alloc : memref<!tpu.dma_semaphore, #tpu.memory_space<semaphore_mem>>
      %dma_start3A = arith.constant 0 : i32
      %dma_start3A_66 = tpu.memref_slice %arg7[%dma_start3A] : memref<1536xf32, #tpu.memory_space<vmem>> -> memref<512xf32, #tpu.memory_space<vmem>>
      %dma_start3A_67 = tpu.memref_slice %arg4[%add3A_51] : memref<49152xf32, #tpu.memory_space<hbm>> -> memref<512xf32, #tpu.memory_space<hbm>>
      %dma_start3A_68 = tpu.memref_slice %arg4[%add3A_51] : memref<49152xf32, #tpu.memory_space<hbm>> -> memref<512xf32, #tpu.memory_space<hbm>>
      %dma_start3A_69 = arith.constant 0 : i32
      %dma_start3A_70 = tpu.memref_slice %arg7[%dma_start3A_69] : memref<1536xf32, #tpu.memory_space<vmem>> -> memref<512xf32, #tpu.memory_space<vmem>>
      tpu.enqueue_dma source(%dma_start3A_70 : memref<512xf32, #tpu.memory_space<vmem>>) target(%dma_start3A_68 : memref<512xf32, #tpu.memory_space<hbm>>) target_semaphore(%run_scoped3A : memref<!tpu.dma_semaphore, #tpu.memory_space<semaphore_mem>>)
      %dma_wait3A = arith.constant 0 : i32
      %dma_wait3A_71 = tpu.memref_slice %arg7[%dma_wait3A] : memref<1536xf32, #tpu.memory_space<vmem>> -> memref<512xf32, #tpu.memory_space<vmem>>
      %dma_wait3A_72 = tpu.memref_slice %arg4[%add3A_51] : memref<49152xf32, #tpu.memory_space<hbm>> -> memref<512xf32, #tpu.memory_space<hbm>>
      %dma_wait3A_73 = tpu.memref_slice %arg4[%add3A_51] : memref<49152xf32, #tpu.memory_space<hbm>> -> memref<512xf32, #tpu.memory_space<hbm>>
      %dma_wait3A_74 = arith.constant 0 : i32
      %dma_wait3A_75 = tpu.memref_slice %arg7[%dma_wait3A_74] : memref<1536xf32, #tpu.memory_space<vmem>> -> memref<512xf32, #tpu.memory_space<vmem>>
      tpu.wait_dma2 semaphore(%run_scoped3A : memref<!tpu.dma_semaphore, #tpu.memory_space<semaphore_mem>>) src(%dma_wait3A_75 : memref<512xf32, #tpu.memory_space<vmem>>) dst(%dma_wait3A_73 : memref<512xf32, #tpu.memory_space<hbm>>)
      tpu.yield
    }) : () -> ()
    %mul3A_52 = arith.constant 3 : i32
    %mul3A_53 = arith.muli %select_n3A, %mul3A_52 : i32
    %mul3A_54 = arith.constant 4096 : i32
    %mul3A_55 = arith.muli %mul3A_53, %mul3A_54 : i32
    %add3A_56 = arith.constant 4096 : i32
    %add3A_57 = arith.addi %mul3A_55, %add3A_56 : i32
    %add3A_58 = arith.addi %add3A_57, %mul3A_32 : i32
    "tpu.region"() ({
      %run_scoped3A = tpu.sem_alloc : memref<!tpu.dma_semaphore, #tpu.memory_space<semaphore_mem>>
      %dma_start3A = arith.constant 512 : i32
      %dma_start3A_66 = tpu.memref_slice %arg7[%dma_start3A] : memref<1536xf32, #tpu.memory_space<vmem>> -> memref<512xf32, #tpu.memory_space<vmem>>
      %dma_start3A_67 = tpu.memref_slice %arg4[%add3A_58] : memref<49152xf32, #tpu.memory_space<hbm>> -> memref<512xf32, #tpu.memory_space<hbm>>
      %dma_start3A_68 = tpu.memref_slice %arg4[%add3A_58] : memref<49152xf32, #tpu.memory_space<hbm>> -> memref<512xf32, #tpu.memory_space<hbm>>
      %dma_start3A_69 = arith.constant 512 : i32
      %dma_start3A_70 = tpu.memref_slice %arg7[%dma_start3A_69] : memref<1536xf32, #tpu.memory_space<vmem>> -> memref<512xf32, #tpu.memory_space<vmem>>
      tpu.enqueue_dma source(%dma_start3A_70 : memref<512xf32, #tpu.memory_space<vmem>>) target(%dma_start3A_68 : memref<512xf32, #tpu.memory_space<hbm>>) target_semaphore(%run_scoped3A : memref<!tpu.dma_semaphore, #tpu.memory_space<semaphore_mem>>)
      %dma_wait3A = arith.constant 512 : i32
      %dma_wait3A_71 = tpu.memref_slice %arg7[%dma_wait3A] : memref<1536xf32, #tpu.memory_space<vmem>> -> memref<512xf32, #tpu.memory_space<vmem>>
      %dma_wait3A_72 = tpu.memref_slice %arg4[%add3A_58] : memref<49152xf32, #tpu.memory_space<hbm>> -> memref<512xf32, #tpu.memory_space<hbm>>
      %dma_wait3A_73 = tpu.memref_slice %arg4[%add3A_58] : memref<49152xf32, #tpu.memory_space<hbm>> -> memref<512xf32, #tpu.memory_space<hbm>>
      %dma_wait3A_74 = arith.constant 512 : i32
      %dma_wait3A_75 = tpu.memref_slice %arg7[%dma_wait3A_74] : memref<1536xf32, #tpu.memory_space<vmem>> -> memref<512xf32, #tpu.memory_space<vmem>>
      tpu.wait_dma2 semaphore(%run_scoped3A : memref<!tpu.dma_semaphore, #tpu.memory_space<semaphore_mem>>) src(%dma_wait3A_75 : memref<512xf32, #tpu.memory_space<vmem>>) dst(%dma_wait3A_73 : memref<512xf32, #tpu.memory_space<hbm>>)
      tpu.yield
    }) : () -> ()
    %mul3A_59 = arith.constant 3 : i32
    %mul3A_60 = arith.muli %select_n3A, %mul3A_59 : i32
    %mul3A_61 = arith.constant 4096 : i32
    %mul3A_62 = arith.muli %mul3A_60, %mul3A_61 : i32
    %add3A_63 = arith.constant 8192 : i32
    %add3A_64 = arith.addi %mul3A_62, %add3A_63 : i32
    %add3A_65 = arith.addi %add3A_64, %mul3A_32 : i32
    "tpu.region"() ({
      %run_scoped3A = tpu.sem_alloc : memref<!tpu.dma_semaphore, #tpu.memory_space<semaphore_mem>>
      %dma_start3A = arith.constant 1024 : i32
      %dma_start3A_66 = tpu.memref_slice %arg7[%dma_start3A] : memref<1536xf32, #tpu.memory_space<vmem>> -> memref<512xf32, #tpu.memory_space<vmem>>
      %dma_start3A_67 = tpu.memref_slice %arg4[%add3A_65] : memref<49152xf32, #tpu.memory_space<hbm>> -> memref<512xf32, #tpu.memory_space<hbm>>
      %dma_start3A_68 = tpu.memref_slice %arg4[%add3A_65] : memref<49152xf32, #tpu.memory_space<hbm>> -> memref<512xf32, #tpu.memory_space<hbm>>
      %dma_start3A_69 = arith.constant 1024 : i32
      %dma_start3A_70 = tpu.memref_slice %arg7[%dma_start3A_69] : memref<1536xf32, #tpu.memory_space<vmem>> -> memref<512xf32, #tpu.memory_space<vmem>>
      tpu.enqueue_dma source(%dma_start3A_70 : memref<512xf32, #tpu.memory_space<vmem>>) target(%dma_start3A_68 : memref<512xf32, #tpu.memory_space<hbm>>) target_semaphore(%run_scoped3A : memref<!tpu.dma_semaphore, #tpu.memory_space<semaphore_mem>>)
      %dma_wait3A = arith.constant 1024 : i32
      %dma_wait3A_71 = tpu.memref_slice %arg7[%dma_wait3A] : memref<1536xf32, #tpu.memory_space<vmem>> -> memref<512xf32, #tpu.memory_space<vmem>>
      %dma_wait3A_72 = tpu.memref_slice %arg4[%add3A_65] : memref<49152xf32, #tpu.memory_space<hbm>> -> memref<512xf32, #tpu.memory_space<hbm>>
      %dma_wait3A_73 = tpu.memref_slice %arg4[%add3A_65] : memref<49152xf32, #tpu.memory_space<hbm>> -> memref<512xf32, #tpu.memory_space<hbm>>
      %dma_wait3A_74 = arith.constant 1024 : i32
      %dma_wait3A_75 = tpu.memref_slice %arg7[%dma_wait3A_74] : memref<1536xf32, #tpu.memory_space<vmem>> -> memref<512xf32, #tpu.memory_space<vmem>>
      tpu.wait_dma2 semaphore(%run_scoped3A : memref<!tpu.dma_semaphore, #tpu.memory_space<semaphore_mem>>) src(%dma_wait3A_75 : memref<512xf32, #tpu.memory_space<vmem>>) dst(%dma_wait3A_73 : memref<512xf32, #tpu.memory_space<hbm>>)
      tpu.yield
    }) : () -> ()
    return
  }
}

module attributes {stable_mosaic.version = 14 : i64} {
  func.func @_nn_block_kernel(%arg0: i32, %arg1: i32, %arg2: memref<1x3x512xf32, #tpu.memory_space<vmem>>, %arg3: memref<1x3x4096xf32, #tpu.memory_space<vmem>>, %arg4: memref<1x1x512xi32, #tpu.memory_space<vmem>>, %arg5: memref<1x1x512xf32, #tpu.memory_space<vmem>>) attributes {dimension_semantics = [#tpu.dimension_semantics<arbitrary>, #tpu.dimension_semantics<arbitrary>], iteration_bounds = array<i64: 4, 8>, scalar_prefetch = 0 : i64, scratch_operands = 0 : i64, tpu.core_type = #tpu.core_type<tc>, window_params = [{transform_indices = @transform_0, window_bounds = array<i64: 1, 3, 512>}, {transform_indices = @transform_1, window_bounds = array<i64: 1, 3, 4096>}, {transform_indices = @transform_2, window_bounds = array<i64: 1, 1, 512>}, {transform_indices = @transform_3, window_bounds = array<i64: 1, 1, 512>}]} {
    %get3A = arith.constant 0 : index
    %get3A_0 = arith.constant 0 : index
    %get3A_1 = arith.constant 0 : index
    %get3A_2 = vector.load %arg2[%get3A, %get3A_0, %get3A_1] : memref<1x3x512xf32, #tpu.memory_space<vmem>>, vector<1x3x512xf32>
    %get3A_3 = vector.shape_cast %get3A_2 : vector<1x3x512xf32> to vector<3x512xf32>
    %get3A_4 = arith.constant 0 : index
    %get3A_5 = arith.constant 0 : index
    %get3A_6 = arith.constant 0 : index
    %get3A_7 = vector.load %arg3[%get3A_4, %get3A_5, %get3A_6] : memref<1x3x4096xf32, #tpu.memory_space<vmem>>, vector<1x3x4096xf32>
    %get3A_8 = vector.shape_cast %get3A_7 : vector<1x3x4096xf32> to vector<3x4096xf32>
    %mul3A = arith.mulf %get3A_3, %get3A_3 : vector<3x512xf32>
    %reduce_sum3A = arith.constant dense<0.000000e+00> : vector<512xf32>
    %reduce_sum3A_9 = vector.multi_reduction <add>, %mul3A, %reduce_sum3A [0] : vector<3x512xf32> to vector<512xf32>
    %mul3A_10 = arith.mulf %get3A_8, %get3A_8 : vector<3x4096xf32>
    %reduce_sum3A_11 = arith.constant dense<0.000000e+00> : vector<4096xf32>
    %reduce_sum3A_12 = vector.multi_reduction <add>, %mul3A_10, %reduce_sum3A_11 [0] : vector<3x4096xf32> to vector<4096xf32>
    %dot_general3A = arith.constant dense<0.000000e+00> : vector<512x4096xf32>
    %dot_general3A_13 = tpu.matmul %get3A_3, %get3A_8, %dot_general3A {dimension_numbers = #tpu.dot_dimension_numbers<[0], [0], [1], [1], [0, 1, 1, 1], [], []>, transpose_lhs_hint = false} : vector<3x512xf32>, vector<3x4096xf32>, vector<512x4096xf32> -> vector<512x4096xf32>
    %mul3A_14 = arith.constant -2.000000e+00 : f32
    %mul3A_15 = vector.broadcast %mul3A_14 : f32 to vector<512x4096xf32>
    %mul3A_16 = arith.mulf %mul3A_15, %dot_general3A_13 : vector<512x4096xf32>
    %broadcast_in_dim3A = vector.shape_cast %reduce_sum3A_9 : vector<512xf32> to vector<512x1xf32>
    %neg3A = arith.constant 0.000000e+00 : f32
    %neg3A_17 = vector.broadcast %neg3A : f32 to vector<512x1xf32>
    %neg3A_18 = arith.subf %neg3A_17, %broadcast_in_dim3A : vector<512x1xf32>
    %sub3A = vector.broadcast %neg3A_18 : vector<512x1xf32> to vector<512x4096xf32>
    %sub3A_19 = arith.subf %sub3A, %mul3A_16 : vector<512x4096xf32>
    %broadcast_in_dim3A_20 = vector.shape_cast %reduce_sum3A_12 : vector<4096xf32> to vector<1x4096xf32>
    %sub3A_21 = vector.broadcast %broadcast_in_dim3A_20 : vector<1x4096xf32> to vector<512x4096xf32>
    %sub3A_22 = arith.subf %sub3A_19, %sub3A_21 : vector<512x4096xf32>
    %reduce_max3A = arith.constant dense<0xFF800000> : vector<512xf32>
    %reduce_max3A_23 = vector.multi_reduction <maximumf>, %sub3A_22, %reduce_max3A [1] : vector<512x4096xf32> to vector<512xf32>
    %argmax3A = tpu.reduce_index %sub3A_22 {axis = 1 : i32, kind = #tpu.reduction_kind<arg_max>} : vector<512x4096xf32> -> vector<512xi32>
    %swap3A = arith.constant 0 : index
    %swap3A_24 = arith.constant 0 : index
    %swap3A_25 = arith.constant 0 : index
    %swap3A_26 = vector.load %arg4[%swap3A, %swap3A_24, %swap3A_25] : memref<1x1x512xi32, #tpu.memory_space<vmem>>, vector<1x1x512xi32>
    %swap3A_27 = vector.shape_cast %swap3A_26 : vector<1x1x512xi32> to vector<512xi32>
    %swap3A_28 = vector.shape_cast %argmax3A : vector<512xi32> to vector<1x1x512xi32>
    tpu.vector_store %arg4[%swap3A, %swap3A_24, %swap3A_25], %swap3A_28 {strides = array<i32>} : memref<1x1x512xi32, #tpu.memory_space<vmem>>, vector<1x1x512xi32>,
    %swap3A_29 = arith.constant 0 : index
    %swap3A_30 = arith.constant 0 : index
    %swap3A_31 = arith.constant 0 : index
    %swap3A_32 = vector.load %arg5[%swap3A_29, %swap3A_30, %swap3A_31] : memref<1x1x512xf32, #tpu.memory_space<vmem>>, vector<1x1x512xf32>
    %swap3A_33 = vector.shape_cast %swap3A_32 : vector<1x1x512xf32> to vector<512xf32>
    %swap3A_34 = vector.shape_cast %reduce_max3A_23 : vector<512xf32> to vector<1x1x512xf32>
    tpu.vector_store %arg5[%swap3A_29, %swap3A_30, %swap3A_31], %swap3A_34 {strides = array<i32>} : memref<1x1x512xf32, #tpu.memory_space<vmem>>, vector<1x1x512xf32>,
    return
  }
  func.func @transform_0(%arg0: i32, %arg1: i32) -> (i32, i32, i32) {
    %c0_i32 = arith.constant 0 : i32
    %c0_i32_0 = arith.constant 0 : i32
    return %arg0, %c0_i32, %arg1 : i32, i32, i32
  }
  func.func @transform_1(%arg0: i32, %arg1: i32) -> (i32, i32, i32) {
    %c0_i32 = arith.constant 0 : i32
    %c0_i32_0 = arith.constant 0 : i32
    %c0_i32_1 = arith.constant 0 : i32
    return %arg0, %c0_i32, %c0_i32_0 : i32, i32, i32
  }
  func.func @transform_2(%arg0: i32, %arg1: i32) -> (i32, i32, i32) {
    %c0_i32 = arith.constant 0 : i32
    %c0_i32_0 = arith.constant 0 : i32
    return %arg0, %c0_i32, %arg1 : i32, i32, i32
  }
  func.func @transform_3(%arg0: i32, %arg1: i32) -> (i32, i32, i32) {
    %c0_i32 = arith.constant 0 : i32
    %c0_i32_0 = arith.constant 0 : i32
    return %arg0, %c0_i32, %arg1 : i32, i32, i32
  }
}

</mosaic_0001>

<sc_bundles>
// kernel: body.8.cloned.1.call-start
scs
__scs_entry_jumppad:
0x0: {  	(pc) =	sbr.rel $0x88, $3  }
0x1: {  	(tag) =	ssettag $0x0;
	lr =	simm.s32 $0x1  }
0x2: {  	[smem:$0x3F9F] =	sst lr;
	_ =	strace $0xD0000000  }
0x3: {  	_ = 	snop  }
0x4: {  	_ = 	snop  }
0x5: {  	_ = 	snop  }
0x6: {  	_ = 	snop  }
0x7: {  	_ = 	snop  }
__scs_overlays_trampoline_lowered:
0x8: {  	[smem:$0x3FAE] =	sst s0  }
0x9: {  	[smem:$0x3FAF] =	sst s1  }
0xa: {  	[smem:$0x3FB0] =	sst s2  }
0xb: {  	[smem:$0x3FB1] =	sst s3  }
0xc: {  	[smem:$0x3FB2] =	sst s4  }
0xd: {  	[smem:$0x3FB3] =	sst s5  }
0xe: {  	[smem:$0x3FB4] =	sst s6  }
0xf: {  	[smem:$0x3FB5] =	sst s7  }
0x10: {  	[smem:$0x3FB6] =	sst s8  }
0x11: {  	[smem:$0x3FB7] =	sst s9;
	s0 =	simm.s32 @!p0 $0x0  }
0x12: {  	s1 =	sld [smem:$0x3F9D];
	s0 =	simm.s32 @p0 $0x1  }
0x13: {  	[smem:$0x3FB8] =	sst s0;
	s0 =	simm.s32 @!p1 $0x0  }
0x14: {  	s2 =	sld [smem:$0x3F9C];
	s0 =	simm.s32 @p1 $0x1  }
0x15: {  	[smem:$0x3FB9] =	sst s0;
	s0 =	simm.s32 @!p2 $0x0  }
0x16: {  	s3 =	sld [smem:$0x3FDB];
	s0 =	simm.s32 @p2 $0x1  }
0x17: {  	s4 =	simm.s32 $0x1BF5;
	[smem:$0x3FBB] =	sst s0  }
0x18: {  	s0 =	sld [smem:$0x3F9E];
	_ =	swait.ge [sflag:s4], $0x0  }
0x19: {  	s7 =	sld [smem:$0x3F9F]  }
0x1a: {  	s8 =	sadd.s32 $0xFFFFE003, lr  }
0x1b: {  	s9 =	sadd.s32 $0xFFFFFEF7, lr;
	s5 =	simm.s32 $0xFFFFFFFF;
	p2 =	slt.u32 s8, $0xFFFFF086  }
0x1c: {  	p1 =	slt.u32 s9, $0xF7A;
	s5 =	simm.s32 @!p2 $0x0  }
0x1d: {  	s5 =	simm.s32 @p1 $0x1;
	p0 =	seq.s32 s7, s2  }
0x1e: {  	s7 =	smul.u32 @!p0 $0xF7A, s2;
	p2 =	seq.s32 @!p0 s5, $0x0  }
0x1f: {  	s9 =	smul.u32 $0xF7A, s1;
	s8 =	simm.s32 @!p0 $0x1BF5;
	p2 =	por !p2, p0  }
0x20: {  	[sflag:s8] =	ssyncset.s32 @!p0 $0xFFFFF086;
	s6 =	sadd.s32 @!p0 s3, s7;
	s7 =	simm.s32 @!p0 $0x108  }
0x21: {  	s3 =	sadd.s32 s3, s9;
	s6 =	sadd.s32 @!p0 $0x88, s6;
	s7 =	simm.s32 @p2 $0x1082  }
0x22: {  	[simem:s7], [sflag:s8] =	dma.local @!p0 [hbm:s6], $0xF7A  }
0x23: {  	s9 =	sor.u32 $0xD0000000, s2;
	s6 =	simm.s32 $0x108;
	_ =	swait.ge @!p0 [sflag:s8], $0x0  }
0x24: {  	s3 =	sadd.s32 $0x88, s3;
	s6 =	simm.s32 @!p1 $0x1082;
	[sflag:s4] =	ssyncset.s32 $0xFFFFF086  }
0x25: {  	[simem:s6], [sflag:s4] =	dma.local [hbm:s3], $0xF7A  }
0x26: {  	[smem:$0x3F9F] =	sst s1;
	(tag) =	ssettag s2;
	_ =	strace s9  }
0x27: {  	s1 =	sld [smem:$0x3FAF]  }
0x28: {  	s2 =	sld [smem:$0x3FB0]  }
0x29: {  	s4 =	sld [smem:$0x3FB2]  }
0x2a: {  	p0 =	seq.s32 s5, $0x0;
	s5 =	sld [smem:$0x3FB3]  }
0x2b: {  	s6 =	sld [smem:$0x3FB4]  }
0x2c: {  	s7 =	sld [smem:$0x3FB5]  }
0x2d: {  	s3 =	simm.s32 $0x108;
	s8 =	sld [smem:$0x3FB6]  }
0x2e: {  	s3 =	simm.s32 @!p0 $0x1082;
	s9 =	sld [smem:$0x3FB7]  }
0x2f: {  	lr =	sadd.s32 s0, s3;
	s0 =	sld [smem:$0x3FAE]  }
0x30: {  	s3 =	sld [smem:$0x3FB1]  }
0x31: {  	[smem:$0x3FBA] =	sst s10  }
0x32: {  	s10 =	sld [smem:$0x3FB8];
	_ =	sdelay $0x3  }
0x33: {  	p0 =	seq.s32 s10, $0x1;
	s10 =	sld [smem:$0x3FBA];
	_ =	sdelay $0x3  }
0x34: {  	[smem:$0x3FBA] =	sst s10  }
0x35: {  	s10 =	sld [smem:$0x3FB9];
	_ =	sdelay $0x3  }
0x36: {  	p1 =	seq.s32 s10, $0x1;
	s10 =	sld [smem:$0x3FBA];
	_ =	sdelay $0x3  }
0x37: {  	[smem:$0x3FBA] =	sst s10  }
0x38: {  	s10 =	sld [smem:$0x3FBB]  }
0x39: {  	_ = 	snop;
	(pc) =	sbr.ind lr, $3  }
0x3a: {  	_ = 	snop  }
0x3b: {  	_ = 	snop  }
0x3c: {  	p2 =	seq.s32 s10, $0x1;
	s10 =	sld [smem:$0x3FBA]  }
0x3d: {  	_ =	shalt  }
0x3e: {  	_ =	shalt  }
0x3f: {  	_ =	shalt  }
0x40: {  	_ =	shalt  }
0x41: {  	_ =	shalt  }
0x42: {  	_ =	shalt  }
0x43: {  	_ =	shalt  }
0x44: {  	_ =	shalt  }
0x45: {  	_ =	shalt  }
0x46: {  	_ =	shalt  }
0x47: {  	_ =	shalt  }
0x48: {  	_ =	shalt  }
0x49: {  	_ =	shalt  }
0x4a: {  	_ =	shalt  }
0x4b: {  	_ =	shalt  }
0x4c: {  	_ =	shalt  }
0x4d: {  	_ =	shalt  }
0x4e: {  	_ =	shalt  }
0x4f: {  	_ =	shalt  }
0x50: {  	_ =	shalt  }
0x51: {  	_ =	shalt  }
0x52: {  	_ =	shalt  }
0x53: {  	_ =	shalt  }
0x54: {  	_ =	shalt  }
0x55: {  	_ =	shalt  }
0x56: {  	_ =	shalt  }
0x57: {  	_ =	shalt  }
0x58: {  	_ =	shalt  }
0x59: {  	_ =	shalt  }
0x5a: {  	_ =	shalt  }
0x5b: {  	_ =	shalt  }
0x5c: {  	_ =	shalt  }
0x5d: {  	_ =	shalt  }
0x5e: {  	_ =	shalt  }
0x5f: {  	_ =	shalt  }
0x60: {  	_ =	shalt  }
0x61: {  	_ =	shalt  }
0x62: {  	_ =	shalt  }
0x63: {  	_ =	shalt  }
0x64: {  	_ =	shalt  }
0x65: {  	_ =	shalt  }
0x66: {  	_ =	shalt  }
0x67: {  	_ =	shalt  }
0x68: {  	_ =	shalt  }
0x69: {  	_ =	shalt  }
0x6a: {  	_ =	shalt  }
0x6b: {  	_ =	shalt  }
0x6c: {  	_ =	shalt  }
0x6d: {  	_ =	shalt  }
0x6e: {  	_ =	shalt  }
0x6f: {  	_ =	shalt  }
0x70: {  	_ =	shalt  }
0x71: {  	_ =	shalt  }
0x72: {  	_ =	shalt  }
0x73: {  	_ =	shalt  }
0x74: {  	_ =	shalt  }
0x75: {  	_ =	shalt  }
0x76: {  	_ =	shalt  }
0x77: {  	_ =	shalt  }
0x78: {  	_ =	shalt  }
0x79: {  	_ =	shalt  }
0x7a: {  	_ =	shalt  }
0x7b: {  	_ =	shalt  }
0x7c: {  	_ =	shalt  }
0x7d: {  	_ =	shalt  }
0x7e: {  	_ =	shalt  }
0x7f: {  	_ =	shalt  }
0x80: {  	_ =	shalt  }
0x81: {  	_ =	shalt  }
0x82: {  	_ =	shalt  }
0x83: {  	_ =	shalt  }
0x84: {  	_ =	shalt  }
0x85: {  	_ =	shalt  }
0x86: {  	_ =	shalt  }
0x87: {  	_ =	shalt  }
.Lfunc_end0:
.L_simem_size_0:
called_computation_lowered:
.L_overlay_start_0:
0x88: {  	s2 =	sld [smem:$0x3FD9]  }
0x89: {  	s3 =	sld [smem:$0x3FFE];
	_ =	sdelay $0x1  }
0x8a: {  	s1 =	srdreg.scid  }
0x8b: {  	s0 =	sand.u32 $0x1, s1  }
0x8c: {  	s14 =	sshll.u32 s0, $0xA;
	s2 =	sadd.s32 s3, s2  }
0x8d: {  	s2 =	sadd.s32 s2, s14  }
0x8e: {  	[smem:$0x3FC6] =	sst s2  }
0x8f: {  	_ = 	snop  }
0x90: {  	s2 =	sld [smem:$0x3FD0];
	_ =	sdelay $0x2  }
0x91: {  	s15 =	simm.s32 $0xA;
	s4 =	simm.s32 $0x10  }
0x92: {  	[smem:s4], [sflag:s15] =	dma.local [hbm:s2], $0x1  }
0x93: {  	_ =	swait.eq [sflag:s15], $0x1  }
0x94: {  	[sflag:s15] =	ssyncset.done $0x0  }
0x95: {  	s16 =	sld [smem:$0x10];
	[sflag:s15] =	ssyncadd.s32 $0xFFFFFFFF  }
0x96: {  	s17 =	sld [smem:$0x11];
	(tm) =	ssettm $0x1  }
0x97: {  	s18 =	sld [smem:$0x3FFB];
	_ =	sdelay $0x3  }
0x98: {  	_ =	strace s18  }
0x99: {  	s4 =	sld [smem:$0x3FFC];
	_ =	sdelay $0x3  }
0x9a: {  	_ =	strace s4  }
0x9b: {  	s4 =	sld [smem:$0x3FFD];
	_ =	sdelay $0x3  }
0x9c: {  	_ =	strace s4  }
0x9d: {  	_ =	strace $0x8FFFFFFF  }
0x9e: {  	s19 =	sld [smem:$0x3FDB];
	_ =	sdelay $0x1  }
0x9f: {  	s5 =	simm.s32 $_scs_section_size  }
0xa0: {  	s6 =	simm.s32 $_size__tile_overlayer_lowered;
	s7 =	simm.s32 $_tile_overlayer_lowered  }
0xa1: {  	s22 =	simm.s32 $0x1BFF;
	s21 =	sshll.u32 s7, $0x1;
	s4 =	sadd.s32 s5, s19  }
0xa2: {  	s8 =	simm.s32 $0x0;
	s20 =	sshll.u32 s6, $0x1;
	s6 =	sadd.s32 s21, s4  }
0xa3: {  	[timem:s8], [sflag:s22] =	dma.local [hbm:s6], s20  }
0xa4: {  	_ =	swait.ge [sflag:s22], s20  }
0xa5: {  	s5 =	ssub.s32 $0x0, s20;
	[sflag:s22] =	ssyncset.done $0x0  }
0xa6: {  	[sflag:s22] =	ssyncadd.s32 s5;
	_ =	sdelay $0x1  }
0xa7: {  	s23 =	simm.s32 $0x1B8B  }
0xa8: {  	_ =	swait.ge [sflag:s23], $0x1  }
0xa9: {  	[sflag:s23] =	ssyncset.done $0x0  }
0xaa: {  	s25 =	simm.s32 $0x1B8E;
	s24 =	sld [smem:$0x3FFE];
	[sflag:s23] =	ssyncadd.s32 $0xFFFFFFFF  }
0xab: {  	s26 =	simm.s32 $execute0_lowered;
	[smem:$0x3FD2] =	sst s25  }
0xac: {  	s6 =	sshll.u32 s26, $0x1;
	_ =	strace $0x80000046;
	[dreg:$0x1] =	wrdreg $0xFFFFFFFF  }
0xad: {  	s28 =	simm.s32 $_size_execute0_lowered;
	s4 =	sadd.s32 s4, s6;
	[dreg:$0x0] =	wrdreg $0x0  }
0xae: {  	s6 =	sshll.u32 s28, $0x1;
	[dreg:$0x2] =	wrdreg s4  }
0xaf: {  	[dreg:$0x3] =	wrdreg s6  }
0xb0: {  	[dreg:$0x4] =	wrdreg $0xC0  }
0xb1: {  	_ =	task [dreg:s8], $0x5FFFF  }
0xb2: {  	[dreg:$0x1] =	wrdreg $0xFFFFFFFF  }
0xb3: {  	[dreg:$0x0] =	wrdreg $0x60  }
0xb4: {  	[dreg:$0x2] =	wrdreg s17  }
0xb5: {  	[dreg:$0x3] =	wrdreg s24  }
0xb6: {  	[dreg:$0x4] =	wrdreg s16  }
0xb7: {  	[dreg:$0x5] =	wrdreg $0x9  }
0xb8: {  	_ =	task.clear_ibuf [dreg:s8], $0x6FFFF;
	_ =	strace $0x90000046  }
0xb9: {  	s29 =	simm.s32 $0x9;
	_ =	strace $0x80000048  }
0xba: {  	_ =	swait.ge [sflag:s29], $0x1  }
0xbb: {  	[sflag:s29] =	ssyncadd.s32 $0xFFFFFFFF  }
0xbc: {  	_ =	strace $0x90000048  }
0xbd: {  	_ =	sfence  }
0xbe: {  	s30 =	sld [smem:$0x0];
	_ =	sdelay $0x2  }
0xbf: {  	s31 =	sshll.u32 s1, $0xD;
	s1 =	sshrl.u32 s1, $0x2  }
0xc0: {  	s3 =	sand.u32 $0x4000, s31;
	s1 =	sadd.s32 s1, s30  }
0xc1: {  	s0 =	sor.u32 s3, s0;
	s1 =	sshll.u32 s1, $0x11  }
0xc2: {  	s0 =	sor.u32 s1, s0  }
0xc3: {  	s0 =	sadd.s32 $0x8F2B, s0  }
0xc4: {  	[sflag:s0] =	ssyncadd.remote.s32 $0x1  }
0xc5: {  	_ =	sfence.sel $0xFFFF  }
0xc6: {  	[dreg:$0x0] =	wrdreg $0xFFFFFFFF;
	(pc) =	sbr.abs _section_cstart, $3  }
0xc7: {  	[dreg:$0x1] =	wrdreg $0xFFFFFFFF  }
0xc8: {  	_ =	task.clear_ibuf [dreg:s8], $0x2FFFF;
	_ =	strace $0x9FFFFFFF  }
0xc9: {  	(tm) =	ssettm $0x7FFFFFFF  }
tec
execute0_lowered:
.L_overlay_start_1:
0x0: {  	(tag) =	ssettag $0x1  }
0x1: {  	s3 =	rddreg [dreg:$0x0]  }
0x2: {  	s0 =	stileid.u32;
	s4 =	rddreg [dreg:$0x1]  }
0x3: {  	s1 =	srdreg.scid;
	s7 =	rddreg [dreg:$0x2]  }
0x4: {  	s11 =	simm.s32 $0x3400;
	s12 =	simm.s32 $0x3600;
	s13 =	simm.s32 $0x0  }
0x5: {  	s2 =	sshll.u32 s0, $0x1;
	s5 =	sand.u32 $0x1, s1;
	s6 =	sshrl.u32 s0, $0x2  }
0x6: {  	s1 =	rddreg [dreg:$0x3];
	s2 =	sand.u32 $0x6, s2;
	s9 =	sshll.u32 s6, $0xC  }
0x7: {  	s6 =	smul.u32 $0x3000, s6;
	s8 =	sor.u32 s5, s2;
	s2 =	simm.s32 $0x0  }
0x8: {  	s5 =	ssub.s32 $0x2, s5;
	s8 =	sshll.u32 s8, $0x9;
	[smem:$0x7FF] =	sst s2  }
0x9: {  	s30 =	sshrl.u32 s5, $0x1;
	s10 =	sshrl.u32 s6, $0x3;
	s9 =	sor.u32 s9, s8  }
0xa: {  	_ =	strace $0x80000047;
	s3 =	sadd.s32 s3, s10;
	s31 =	sor.u32 s6, s8  }
0xb: {  	s10 =	simm.s32 $0x3200;
	s9 =	sshrl.u32 s9, $0x3;
	s6 =	sadd.s32 $0x1000, s31  }
0xc: {  	s8 =	sadd.s32 $0x2000, s31;
	s4 =	sadd.s32 s9, s4;
	s9 =	ssub.s32 s5, s30  }
0xd: {  	s5 =	sshrl.u32 s31, $0x3;
	s6 =	sshrl.u32 s6, $0x3;
	s8 =	sshrl.u32 s8, $0x3  }
0xe: {  	s4 =	sadd.s32 $0x400, s4;
	s5 =	sadd.s32 s7, s5;
	s6 =	sadd.s32 s7, s6  }
0xf: {  	s7 =	sadd.s32 s7, s8;
	s8 =	smax.u32 s9, $0x1;
	s9 =	simm.s32 $0x1  }
.LBB2_1:
0x10: {  	[tilespmem:s2], [sflag:$0x1] =	stream.linear.gather [hbm4b:s3+s2], $0x3000, $0x38;
	[tilespmem:$0x3800] =	vst v63  }
0x11: {  	_ =	swait.ge [sflag:s9], $0x3000  }
0x12: {  	[sflag:s9] =	ssyncset.done $0x0  }
0x13: {  	s14 =	simm.s32 $0x3000;
	[sflag:s9] =	ssyncadd.s32 $0xFFFFD000  }
0x14: {  	[tilespmem:s14], [sflag:$0x1] =	stream.linear.gather [hbm4b:s4+s2], $0x200, $0x38;
	[tilespmem:$0x3800] =	vst v63  }
0x15: {  	_ =	swait.ge [sflag:s9], $0x200  }
0x16: {  	[sflag:s9] =	ssyncset.done $0x0  }
0x17: {  	[sflag:s9] =	ssyncadd.s32 $0xFFFFFE00  }
0x18: {  	v0 =	vld [tilespmem:s14+$0x0];
	_ =	sdelay $0x7  }
0x19: {  	v1 =	vld.idx.msk [tilespmem:v0+s2+$0x0], $0xffff  }
0x1a: {  	v2 =	vadd.s32 $0x1000, v0;
	_ =	sdelay $0x3  }
0x1b: {  	[tilespmem:s10+$0x0] =	vst v1  }
0x1c: {  	v1 =	vld.idx.msk [tilespmem:v2+s2+$0x0], $0xffff  }
0x1d: {  	v0 =	vadd.s32 $0x2000, v0;
	_ =	sdelay $0x2  }
0x1e: {  	s17 =	sand.u32 $0x1F0, s2  }
0x1f: {  	[tilespmem:s17+$0x3400] =	vst v1  }
0x20: {  	s15 =	simm.s32 $0x10;
	s16 =	simm.s32 $0x3200;
	v0 =	vld.idx.msk [tilespmem:v0+s2+$0x0], $0xffff  }
.LBB2_2:
0x21: {  	_ =	sdelay $0x3  }
0x22: {  	p0 =	sne.s32 s15, $0x1F0;
	s14 =	sadd.s32 $0x10, s14;
	s16 =	sadd.s32 $0x10, s16;
	[tilespmem:s17+$0x3600] =	vst v0  }
0x23: {  	s17 =	smov.u32 s15;
	s15 =	sadd.s32 $0x10, s15;
	v0 =	vld [tilespmem:s14+$0x0];
	_ =	sdelay $0x7  }
0x24: {  	v1 =	vld.idx.msk [tilespmem:v0+s2+$0x0], $0xffff;
	_ =	sdelay $0x1  }
0x25: {  	v2 =	vadd.s32 $0x1000, v0;
	_ =	sdelay $0x3  }
0x26: {  	[tilespmem:s16+$0x0] =	vst v1  }
0x27: {  	v1 =	vld.idx.msk [tilespmem:v2+s2+$0x0], $0xffff;
	_ =	sdelay $0x1  }
0x28: {  	v0 =	vadd.s32 $0x2000, v0  }
.Ltmp0:
0x29: {  	(pc) =	sbr.rel @p0 .LBB2_2-.Ltmp0, $4  }
0x2a: {  	_ = 	snop  }
0x2b: {  	s17 =	sand.u32 $0x1F0, s17  }
0x2c: {  	[tilespmem:s17+$0x3400] =	vst v1  }
0x2d: {  	v0 =	vld.idx.msk [tilespmem:v0+s2+$0x0], $0xffff  }
0x2e: {  	_ =	sdelay $0x3  }
0x2f: {  	[tilespmem:s17+$0x3600] =	vst v0  }
0x30: {  	[hbm4b:s5+s2] =	stream.linear.scatter [tilespmem:s10], [sflag:$0x1], $0x200, $0x38;
	[tilespmem:$0x3800] =	vst v63  }
0x31: {  	_ =	swait.ge [sflag:s9], $0x200  }
0x32: {  	[sflag:s9] =	ssyncset.done $0x0  }
0x33: {  	[sflag:s9] =	ssyncadd.s32 $0xFFFFFE00  }
0x34: {  	[hbm4b:s6+s2] =	stream.linear.scatter [tilespmem:s11], [sflag:$0x1], $0x200, $0x38;
	[tilespmem:$0x3800] =	vst v63  }
0x35: {  	s13 =	sadd.s32 $0x1, s13;
	_ =	swait.ge [sflag:s9], $0x200  }
0x36: {  	p0 =	sne.s32 s13, s8;
	[sflag:s9] =	ssyncset.done $0x0  }
.Ltmp1:
0x37: {  	[sflag:s9] =	ssyncadd.s32 $0xFFFFFE00;
	(pc) =	sbr.rel @p0 .LBB2_1-.Ltmp1, $4  }
0x38: {  	[hbm4b:s7+s2] =	stream.linear.scatter [tilespmem:s12], [sflag:$0x1], $0x200, $0x38;
	[tilespmem:$0x3800] =	vst v63  }
0x39: {  	_ =	swait.ge [sflag:s9], $0x200  }
0x3a: {  	[sflag:s9] =	ssyncset.done $0x0  }
0x3b: {  	[sflag:s9] =	ssyncadd.s32 $0xFFFFFE00  }
0x3c: {  	_ =	sfence.sel $0x180000  }
0x3d: {  	[bflag:$0x0] =	sbarrier.arrive $0xFFFF  }
0x3e: {  	p0 =	sne.s32 s0, $0x0;
	_ =	strace $0x90000047  }
0x3f: {  	s0 =	sadd.s32 @!p0 $0x100000, s1;
	[bflag:$0x2] =	sbarrier.arrive $0xFFFF  }
0x40: {  	[sflag:s0] =	ssyncadd.tile.s32 @!p0 $0x1;
	_ =	shalt  }
.Lfunc_end2:
_tile_overlayer_lowered:
.L_overlay_start_2:
0x41: {  	(tag) =	ssettag $0x2  }
0x42: {  	s0 =	rddreg [dreg:$0x0];
	s2 =	stileid.u32  }
0x43: {  	s1 =	rddreg [dreg:$0x1];
	p0 =	sne.s32 s2, $0x0  }
0x44: {  	s3 =	rddreg [dreg:$0x2];
	[bflag:$0x3] =	sbarrier.arrive $0xFFFF;
	s2 =	simm.s32 @!p0 $0x1C01  }
0x45: {  	[timem:s3], [sflag:s2] =	dma.local @!p0 [hbm:s0], s1  }
0x46: {  	s0 =	simm.s32 @!p0 $0x1  }
0x47: {  	_ =	swait.ge @!p0 [sflag:s0], s1  }
0x48: {  	s1 =	ssub.s32 @!p0 $0x0, s1;
	[sflag:s0] =	ssyncset.done @!p0 $0x0  }
0x49: {  	[sflag:s0] =	ssyncadd.s32 @!p0 s1  }
0x4a: {  	[bflag:$0x3] =	sbarrier.arrive $0xFFFF  }
0x4b: {  	_ =	shalt  }

</sc_bundles>
